<compile_context>
chip_gen: v7x
topology: tpu7x:2x2x1
jax: 0.10.2.dev20260603
libtpu: 0.0.44.dev20260713+nightly
codegen_flags: <defaults>
</compile_context>

<pallas_src>
import functools

import jax
import jax.numpy as jnp
from jax import lax
from jax.experimental import pallas as pl
from jax.experimental.pallas import tpu as pltpu
from jax.experimental.pallas import tpu_sc as plsc

_NC = 1
_NS = 16
_NW = _NC * _NS
_L = 16


@functools.lru_cache(maxsize=None)
def _make_gather(batch: int, table_len: int):
    assert batch % (_NW * _L) == 0
    b_per_w = batch // _NW

    mesh = plsc.VectorSubcoreMesh(
        core_axis_name="c", subcore_axis_name="s", num_cores=1
    )

    @functools.partial(
        pl.kernel,
        out_type=jax.ShapeDtypeStruct((batch,), jnp.float32),
        mesh=mesh,
        scratch_types=[
            pltpu.VMEM((table_len,), jnp.float32),
            pltpu.VMEM((b_per_w,), jnp.int32),
            pltpu.VMEM((b_per_w,), jnp.float32),
            pltpu.SemaphoreType.DMA,
            pltpu.SemaphoreType.DMA,
            pltpu.SemaphoreType.DMA,
            pltpu.SemaphoreType.DMA,
        ],
        compiler_params=pltpu.CompilerParams(needs_layout_passes=False),
    )
    def gather_kernel(
        values_hbm, t_hbm, out_hbm, tab_v, idx_v, out_v, sem_t, sem_i0, sem_i1, sem_o
    ):
        wid = lax.axis_index("s") * _NC + lax.axis_index("c")
        base = wid * b_per_w
        half = b_per_w // 2
        copy_tab = pltpu.async_copy(values_hbm, tab_v, sem_t)
        copy_i0 = pltpu.async_copy(
            t_hbm.at[pl.ds(base, half)], idx_v.at[pl.ds(0, half)], sem_i0
        )
        copy_i1 = pltpu.async_copy(
            t_hbm.at[pl.ds(base + half, half)], idx_v.at[pl.ds(half, half)], sem_i1
        )
        copy_tab.wait()
        copy_i0.wait()

        @plsc.parallel_loop(0, half, step=_L, unroll=16)
        def _gather0(off):
            idx16 = idx_v[pl.ds(off, _L)]
            out_v[pl.ds(off, _L)] = plsc.load_gather(tab_v, [idx16])

        copy_o0 = pltpu.async_copy(
            out_v.at[pl.ds(0, half)], out_hbm.at[pl.ds(base, half)], sem_o
        )
        copy_i1.wait()

        @plsc.parallel_loop(half, b_per_w, step=_L, unroll=16)
        def _gather1(off):
            idx16 = idx_v[pl.ds(off, _L)]
            out_v[pl.ds(off, _L)] = plsc.load_gather(tab_v, [idx16])

        copy_o1 = pltpu.async_copy(
            out_v.at[pl.ds(half, half)], out_hbm.at[pl.ds(base + half, half)], sem_o
        )
        copy_o0.wait()
        copy_o1.wait()

    return gather_kernel


def kernel(values, t, shape):
    batch = t.shape[0]
    ndim = shape.shape[0]
    out = _make_gather(batch, values.shape[0])(values, t)
    return out.reshape((batch,) + (1,) * (ndim - 1))

# --- scband reference (transcript-rebuilt; emitter-appended) ---
"""Pipeline reference for scband-noise-schedule-10909216932594 (READ-ONLY COPY).

The authoritative reference and input builder live on the scoring server;
editing this copy changes nothing except your own understanding.
"""

import jax, jax.numpy as jnp
import numpy as np


def setup_inputs(seed: int = 0) -> dict:
    key = jax.random.key(seed)
    k1, k2 = jax.random.split(key)
    # values: a (T,) precomputed schedule buffer (e.g., sqrt_alpha_bar). Use uniform fill per spec.
    values = jax.random.uniform(k1, (1000,), dtype=jnp.float32)
    # t: (B,) timestep indices in [0, T)
    t = jax.random.randint(k2, (16384,), 0, 1000, dtype=jnp.int32)
    # shape: stand-in for the broadcast target shape tuple; only its length (rank) is used
    shape = jnp.ones((4,), dtype=jnp.int32)
    return {"values": values, "t": t, "shape": shape}


def reference(values, t, shape):
    # Faithful translation of NoiseSchedule.get_value:
    #   out = values.gather(-1, t); out.reshape(batch_size, 1, ..., 1)
    batch_size = t.shape[0]
    out = jnp.take(values, t, axis=-1)
    ndim = shape.shape[0]  # len(shape) in the torch module
    return out.reshape((batch_size,) + (1,) * (ndim - 1))

if __name__ == "__main__":
    import jax
    _d = setup_inputs()
    print(jax.jit(kernel)(*tuple(_d.values())))

</pallas_src>

<mosaic_0001>
#map = affine_map<(d0, d1) -> (0)>
module attributes {stable_mosaic.version = 14 : i64} {
  func.func @gather_kernel(%arg0: i32, %arg1: i32, %arg2: memref<1000xf32, #tpu.memory_space<hbm>>, %arg3: memref<16384xi32, #tpu.memory_space<hbm>>, %arg4: memref<16384xf32, #tpu.memory_space<hbm>>, %arg5: memref<1000xf32, #tpu.memory_space<vmem>>, %arg6: memref<1024xi32, #tpu.memory_space<vmem>>, %arg7: memref<1024xf32, #tpu.memory_space<vmem>>, %arg8: memref<!tpu.dma_semaphore, #tpu.memory_space<semaphore_mem>>, %arg9: memref<!tpu.dma_semaphore, #tpu.memory_space<semaphore_mem>>, %arg10: memref<!tpu.dma_semaphore, #tpu.memory_space<semaphore_mem>>, %arg11: memref<!tpu.dma_semaphore, #tpu.memory_space<semaphore_mem>>) attributes {dimension_semantics = [#tpu.dimension_semantics<core_parallel>, #tpu.dimension_semantics<subcore_parallel>], iteration_bounds = array<i64: 1, 16>, scalar_prefetch = 0 : i64, scratch_operands = 7 : i64, tpu.core_type = #tpu.core_type<sc_vector_subcore>, window_params = [{transform_indices = #map}, {transform_indices = #map}, {transform_indices = #map}]} {
    %mul3A = arith.constant 1 : i32
    %mul3A_0 = arith.muli %arg1, %mul3A : i32
    %add3A = arith.addi %mul3A_0, %arg0 : i32
    %mul3A_1 = arith.constant 1024 : i32
    %mul3A_2 = arith.muli %add3A, %mul3A_1 : i32
    tpu.enqueue_dma source(%arg2 : memref<1000xf32, #tpu.memory_space<hbm>>) target(%arg5 : memref<1000xf32, #tpu.memory_space<vmem>>) target_semaphore(%arg8 : memref<!tpu.dma_semaphore, #tpu.memory_space<semaphore_mem>>)
    %dma_start3A = arith.constant 0 : i32
    %dma_start3A_3 = tpu.memref_slice %arg6[%dma_start3A] : memref<1024xi32, #tpu.memory_space<vmem>> -> memref<512xi32, #tpu.memory_space<vmem>>
    %dma_start3A_4 = tpu.memref_slice %arg3[%mul3A_2] : memref<16384xi32, #tpu.memory_space<hbm>> -> memref<512xi32, #tpu.memory_space<hbm>>
    %dma_start3A_5 = arith.constant 0 : i32
    %dma_start3A_6 = tpu.memref_slice %arg6[%dma_start3A_5] : memref<1024xi32, #tpu.memory_space<vmem>> -> memref<512xi32, #tpu.memory_space<vmem>>
    %dma_start3A_7 = tpu.memref_slice %arg3[%mul3A_2] : memref<16384xi32, #tpu.memory_space<hbm>> -> memref<512xi32, #tpu.memory_space<hbm>>
    tpu.enqueue_dma source(%dma_start3A_7 : memref<512xi32, #tpu.memory_space<hbm>>) target(%dma_start3A_6 : memref<512xi32, #tpu.memory_space<vmem>>) target_semaphore(%arg9 : memref<!tpu.dma_semaphore, #tpu.memory_space<semaphore_mem>>)
    %add3A_8 = arith.constant 512 : i32
    %add3A_9 = arith.addi %mul3A_2, %add3A_8 : i32
    %dma_start3A_10 = arith.constant 512 : i32
    %dma_start3A_11 = tpu.memref_slice %arg6[%dma_start3A_10] : memref<1024xi32, #tpu.memory_space<vmem>> -> memref<512xi32, #tpu.memory_space<vmem>>
    %dma_start3A_12 = tpu.memref_slice %arg3[%add3A_9] : memref<16384xi32, #tpu.memory_space<hbm>> -> memref<512xi32, #tpu.memory_space<hbm>>
    %dma_start3A_13 = arith.constant 512 : i32
    %dma_start3A_14 = tpu.memref_slice %arg6[%dma_start3A_13] : memref<1024xi32, #tpu.memory_space<vmem>> -> memref<512xi32, #tpu.memory_space<vmem>>
    %dma_start3A_15 = tpu.memref_slice %arg3[%add3A_9] : memref<16384xi32, #tpu.memory_space<hbm>> -> memref<512xi32, #tpu.memory_space<hbm>>
    tpu.enqueue_dma source(%dma_start3A_15 : memref<512xi32, #tpu.memory_space<hbm>>) target(%dma_start3A_14 : memref<512xi32, #tpu.memory_space<vmem>>) target_semaphore(%arg10 : memref<!tpu.dma_semaphore, #tpu.memory_space<semaphore_mem>>)
    tpu.wait_dma2 semaphore(%arg8 : memref<!tpu.dma_semaphore, #tpu.memory_space<semaphore_mem>>) src(%arg2 : memref<1000xf32, #tpu.memory_space<hbm>>) dst(%arg5 : memref<1000xf32, #tpu.memory_space<vmem>>)
    %dma_wait3A = arith.constant 0 : i32
    %dma_wait3A_16 = tpu.memref_slice %arg6[%dma_wait3A] : memref<1024xi32, #tpu.memory_space<vmem>> -> memref<512xi32, #tpu.memory_space<vmem>>
    %dma_wait3A_17 = tpu.memref_slice %arg3[%mul3A_2] : memref<16384xi32, #tpu.memory_space<hbm>> -> memref<512xi32, #tpu.memory_space<hbm>>
    %dma_wait3A_18 = arith.constant 0 : i32
    %dma_wait3A_19 = tpu.memref_slice %arg6[%dma_wait3A_18] : memref<1024xi32, #tpu.memory_space<vmem>> -> memref<512xi32, #tpu.memory_space<vmem>>
    %dma_wait3A_20 = tpu.memref_slice %arg3[%mul3A_2] : memref<16384xi32, #tpu.memory_space<hbm>> -> memref<512xi32, #tpu.memory_space<hbm>>
    tpu.wait_dma2 semaphore(%arg9 : memref<!tpu.dma_semaphore, #tpu.memory_space<semaphore_mem>>) src(%dma_wait3A_20 : memref<512xi32, #tpu.memory_space<hbm>>) dst(%dma_wait3A_19 : memref<512xi32, #tpu.memory_space<vmem>>)
    %parallel_loop3A = arith.constant 0 : i32
    %parallel_loop3A_21 = arith.constant 512 : i32
    %parallel_loop3A_22 = arith.constant 16 : i32
    scf.for %parallel_loop3A_58 = %parallel_loop3A to %parallel_loop3A_21 step %parallel_loop3A_22  : i32 {
      %parallel_loop3A_59 = arith.index_cast %parallel_loop3A_58 : i32 to index
      %parallel_loop3A_60 = tpu.vector_load %arg6[%parallel_loop3A_59] {strides = array<i32>} : memref<1024xi32, #tpu.memory_space<vmem>>, vector<16xi32>,
      %parallel_loop3A_61 = tpu.vector_load_idx %arg5[%parallel_loop3A_60] : memref<1000xf32, #tpu.memory_space<vmem>>[vector<16xi32>], vector<16xf32>,
      %parallel_loop3A_62 = arith.index_cast %parallel_loop3A_58 : i32 to index
      %parallel_loop3A_63 = tpu.vector_load %arg7[%parallel_loop3A_62] {strides = array<i32>} : memref<1024xf32, #tpu.memory_space<vmem>>, vector<16xf32>,
      tpu.vector_store %arg7[%parallel_loop3A_62], %parallel_loop3A_61 {strides = array<i32>} : memref<1024xf32, #tpu.memory_space<vmem>>, vector<16xf32>,
    } {sc.loop_unroll_factor = 16 : i64, sc.parallel_access}
    %dma_start3A_23 = arith.constant 0 : i32
    %dma_start3A_24 = tpu.memref_slice %arg7[%dma_start3A_23] : memref<1024xf32, #tpu.memory_space<vmem>> -> memref<512xf32, #tpu.memory_space<vmem>>
    %dma_start3A_25 = tpu.memref_slice %arg4[%mul3A_2] : memref<16384xf32, #tpu.memory_space<hbm>> -> memref<512xf32, #tpu.memory_space<hbm>>
    %dma_start3A_26 = tpu.memref_slice %arg4[%mul3A_2] : memref<16384xf32, #tpu.memory_space<hbm>> -> memref<512xf32, #tpu.memory_space<hbm>>
    %dma_start3A_27 = arith.constant 0 : i32
    %dma_start3A_28 = tpu.memref_slice %arg7[%dma_start3A_27] : memref<1024xf32, #tpu.memory_space<vmem>> -> memref<512xf32, #tpu.memory_space<vmem>>
    tpu.enqueue_dma source(%dma_start3A_28 : memref<512xf32, #tpu.memory_space<vmem>>) target(%dma_start3A_26 : memref<512xf32, #tpu.memory_space<hbm>>) target_semaphore(%arg11 : memref<!tpu.dma_semaphore, #tpu.memory_space<semaphore_mem>>)
    %dma_wait3A_29 = arith.constant 512 : i32
    %dma_wait3A_30 = tpu.memref_slice %arg6[%dma_wait3A_29] : memref<1024xi32, #tpu.memory_space<vmem>> -> memref<512xi32, #tpu.memory_space<vmem>>
    %dma_wait3A_31 = tpu.memref_slice %arg3[%add3A_9] : memref<16384xi32, #tpu.memory_space<hbm>> -> memref<512xi32, #tpu.memory_space<hbm>>
    %dma_wait3A_32 = arith.constant 512 : i32
    %dma_wait3A_33 = tpu.memref_slice %arg6[%dma_wait3A_32] : memref<1024xi32, #tpu.memory_space<vmem>> -> memref<512xi32, #tpu.memory_space<vmem>>
    %dma_wait3A_34 = tpu.memref_slice %arg3[%add3A_9] : memref<16384xi32, #tpu.memory_space<hbm>> -> memref<512xi32, #tpu.memory_space<hbm>>
    tpu.wait_dma2 semaphore(%arg10 : memref<!tpu.dma_semaphore, #tpu.memory_space<semaphore_mem>>) src(%dma_wait3A_34 : memref<512xi32, #tpu.memory_space<hbm>>) dst(%dma_wait3A_33 : memref<512xi32, #tpu.memory_space<vmem>>)
    %parallel_loop3A_35 = arith.constant 512 : i32
    %parallel_loop3A_36 = arith.constant 1024 : i32
    %parallel_loop3A_37 = arith.constant 16 : i32
    scf.for %parallel_loop3A_58 = %parallel_loop3A_35 to %parallel_loop3A_36 step %parallel_loop3A_37  : i32 {
      %parallel_loop3A_59 = arith.index_cast %parallel_loop3A_58 : i32 to index
      %parallel_loop3A_60 = tpu.vector_load %arg6[%parallel_loop3A_59] {strides = array<i32>} : memref<1024xi32, #tpu.memory_space<vmem>>, vector<16xi32>,
      %parallel_loop3A_61 = tpu.vector_load_idx %arg5[%parallel_loop3A_60] : memref<1000xf32, #tpu.memory_space<vmem>>[vector<16xi32>], vector<16xf32>,
      %parallel_loop3A_62 = arith.index_cast %parallel_loop3A_58 : i32 to index
      %parallel_loop3A_63 = tpu.vector_load %arg7[%parallel_loop3A_62] {strides = array<i32>} : memref<1024xf32, #tpu.memory_space<vmem>>, vector<16xf32>,
      tpu.vector_store %arg7[%parallel_loop3A_62], %parallel_loop3A_61 {strides = array<i32>} : memref<1024xf32, #tpu.memory_space<vmem>>, vector<16xf32>,
    } {sc.loop_unroll_factor = 16 : i64, sc.parallel_access}
    %add3A_38 = arith.constant 512 : i32
    %add3A_39 = arith.addi %mul3A_2, %add3A_38 : i32
    %dma_start3A_40 = arith.constant 512 : i32
    %dma_start3A_41 = tpu.memref_slice %arg7[%dma_start3A_40] : memref<1024xf32, #tpu.memory_space<vmem>> -> memref<512xf32, #tpu.memory_space<vmem>>
    %dma_start3A_42 = tpu.memref_slice %arg4[%add3A_39] : memref<16384xf32, #tpu.memory_space<hbm>> -> memref<512xf32, #tpu.memory_space<hbm>>
    %dma_start3A_43 = tpu.memref_slice %arg4[%add3A_39] : memref<16384xf32, #tpu.memory_space<hbm>> -> memref<512xf32, #tpu.memory_space<hbm>>
    %dma_start3A_44 = arith.constant 512 : i32
    %dma_start3A_45 = tpu.memref_slice %arg7[%dma_start3A_44] : memref<1024xf32, #tpu.memory_space<vmem>> -> memref<512xf32, #tpu.memory_space<vmem>>
    tpu.enqueue_dma source(%dma_start3A_45 : memref<512xf32, #tpu.memory_space<vmem>>) target(%dma_start3A_43 : memref<512xf32, #tpu.memory_space<hbm>>) target_semaphore(%arg11 : memref<!tpu.dma_semaphore, #tpu.memory_space<semaphore_mem>>)
    %dma_wait3A_46 = arith.constant 0 : i32
    %dma_wait3A_47 = tpu.memref_slice %arg7[%dma_wait3A_46] : memref<1024xf32, #tpu.memory_space<vmem>> -> memref<512xf32, #tpu.memory_space<vmem>>
    %dma_wait3A_48 = tpu.memref_slice %arg4[%mul3A_2] : memref<16384xf32, #tpu.memory_space<hbm>> -> memref<512xf32, #tpu.memory_space<hbm>>
    %dma_wait3A_49 = tpu.memref_slice %arg4[%mul3A_2] : memref<16384xf32, #tpu.memory_space<hbm>> -> memref<512xf32, #tpu.memory_space<hbm>>
    %dma_wait3A_50 = arith.constant 0 : i32
    %dma_wait3A_51 = tpu.memref_slice %arg7[%dma_wait3A_50] : memref<1024xf32, #tpu.memory_space<vmem>> -> memref<512xf32, #tpu.memory_space<vmem>>
    tpu.wait_dma2 semaphore(%arg11 : memref<!tpu.dma_semaphore, #tpu.memory_space<semaphore_mem>>) src(%dma_wait3A_51 : memref<512xf32, #tpu.memory_space<vmem>>) dst(%dma_wait3A_49 : memref<512xf32, #tpu.memory_space<hbm>>)
    %dma_wait3A_52 = arith.constant 512 : i32
    %dma_wait3A_53 = tpu.memref_slice %arg7[%dma_wait3A_52] : memref<1024xf32, #tpu.memory_space<vmem>> -> memref<512xf32, #tpu.memory_space<vmem>>
    %dma_wait3A_54 = tpu.memref_slice %arg4[%add3A_39] : memref<16384xf32, #tpu.memory_space<hbm>> -> memref<512xf32, #tpu.memory_space<hbm>>
    %dma_wait3A_55 = tpu.memref_slice %arg4[%add3A_39] : memref<16384xf32, #tpu.memory_space<hbm>> -> memref<512xf32, #tpu.memory_space<hbm>>
    %dma_wait3A_56 = arith.constant 512 : i32
    %dma_wait3A_57 = tpu.memref_slice %arg7[%dma_wait3A_56] : memref<1024xf32, #tpu.memory_space<vmem>> -> memref<512xf32, #tpu.memory_space<vmem>>
    tpu.wait_dma2 semaphore(%arg11 : memref<!tpu.dma_semaphore, #tpu.memory_space<semaphore_mem>>) src(%dma_wait3A_57 : memref<512xf32, #tpu.memory_space<vmem>>) dst(%dma_wait3A_55 : memref<512xf32, #tpu.memory_space<hbm>>)
    return
  }
}

</mosaic_0001>

<sc_bundles>
// kernel: kernel.3.cloned.1.call-start
scs
__scs_entry_jumppad:
0x0: {  	(pc) =	sbr.rel $0x88, $3  }
0x1: {  	(tag) =	ssettag $0x0;
	lr =	simm.s32 $0x1  }
0x2: {  	[smem:$0x3F9F] =	sst lr;
	_ =	strace $0xD0000000  }
0x3: {  	_ = 	snop  }
0x4: {  	_ = 	snop  }
0x5: {  	_ = 	snop  }
0x6: {  	_ = 	snop  }
0x7: {  	_ = 	snop  }
__scs_overlays_trampoline_lowered:
0x8: {  	[smem:$0x3FAE] =	sst s0  }
0x9: {  	[smem:$0x3FAF] =	sst s1  }
0xa: {  	[smem:$0x3FB0] =	sst s2  }
0xb: {  	[smem:$0x3FB1] =	sst s3  }
0xc: {  	[smem:$0x3FB2] =	sst s4  }
0xd: {  	[smem:$0x3FB3] =	sst s5  }
0xe: {  	[smem:$0x3FB4] =	sst s6  }
0xf: {  	[smem:$0x3FB5] =	sst s7  }
0x10: {  	[smem:$0x3FB6] =	sst s8  }
0x11: {  	[smem:$0x3FB7] =	sst s9;
	s0 =	simm.s32 @!p0 $0x0  }
0x12: {  	s1 =	sld [smem:$0x3F9D];
	s0 =	simm.s32 @p0 $0x1  }
0x13: {  	[smem:$0x3FB8] =	sst s0;
	s0 =	simm.s32 @!p1 $0x0  }
0x14: {  	s2 =	sld [smem:$0x3F9C];
	s0 =	simm.s32 @p1 $0x1  }
0x15: {  	[smem:$0x3FB9] =	sst s0;
	s0 =	simm.s32 @!p2 $0x0  }
0x16: {  	s3 =	sld [smem:$0x3FDB];
	s0 =	simm.s32 @p2 $0x1  }
0x17: {  	s4 =	simm.s32 $0x1BF5;
	[smem:$0x3FBB] =	sst s0  }
0x18: {  	s0 =	sld [smem:$0x3F9E];
	_ =	swait.ge [sflag:s4], $0x0  }
0x19: {  	s7 =	sld [smem:$0x3F9F]  }
0x1a: {  	s8 =	sadd.s32 $0xFFFFE003, lr  }
0x1b: {  	s9 =	sadd.s32 $0xFFFFFEF7, lr;
	s5 =	simm.s32 $0xFFFFFFFF;
	p2 =	slt.u32 s8, $0xFFFFF086  }
0x1c: {  	p1 =	slt.u32 s9, $0xF7A;
	s5 =	simm.s32 @!p2 $0x0  }
0x1d: {  	s5 =	simm.s32 @p1 $0x1;
	p0 =	seq.s32 s7, s2  }
0x1e: {  	s7 =	smul.u32 @!p0 $0xF7A, s2;
	p2 =	seq.s32 @!p0 s5, $0x0  }
0x1f: {  	s9 =	smul.u32 $0xF7A, s1;
	s8 =	simm.s32 @!p0 $0x1BF5;
	p2 =	por !p2, p0  }
0x20: {  	[sflag:s8] =	ssyncset.s32 @!p0 $0xFFFFF086;
	s6 =	sadd.s32 @!p0 s3, s7;
	s7 =	simm.s32 @!p0 $0x108  }
0x21: {  	s3 =	sadd.s32 s3, s9;
	s6 =	sadd.s32 @!p0 $0x88, s6;
	s7 =	simm.s32 @p2 $0x1082  }
0x22: {  	[simem:s7], [sflag:s8] =	dma.local @!p0 [hbm:s6], $0xF7A  }
0x23: {  	s9 =	sor.u32 $0xD0000000, s2;
	s6 =	simm.s32 $0x108;
	_ =	swait.ge @!p0 [sflag:s8], $0x0  }
0x24: {  	s3 =	sadd.s32 $0x88, s3;
	s6 =	simm.s32 @!p1 $0x1082;
	[sflag:s4] =	ssyncset.s32 $0xFFFFF086  }
0x25: {  	[simem:s6], [sflag:s4] =	dma.local [hbm:s3], $0xF7A  }
0x26: {  	[smem:$0x3F9F] =	sst s1;
	(tag) =	ssettag s2;
	_ =	strace s9  }
0x27: {  	s1 =	sld [smem:$0x3FAF]  }
0x28: {  	s2 =	sld [smem:$0x3FB0]  }
0x29: {  	s4 =	sld [smem:$0x3FB2]  }
0x2a: {  	p0 =	seq.s32 s5, $0x0;
	s5 =	sld [smem:$0x3FB3]  }
0x2b: {  	s6 =	sld [smem:$0x3FB4]  }
0x2c: {  	s7 =	sld [smem:$0x3FB5]  }
0x2d: {  	s3 =	simm.s32 $0x108;
	s8 =	sld [smem:$0x3FB6]  }
0x2e: {  	s3 =	simm.s32 @!p0 $0x1082;
	s9 =	sld [smem:$0x3FB7]  }
0x2f: {  	lr =	sadd.s32 s0, s3;
	s0 =	sld [smem:$0x3FAE]  }
0x30: {  	s3 =	sld [smem:$0x3FB1]  }
0x31: {  	[smem:$0x3FBA] =	sst s10  }
0x32: {  	s10 =	sld [smem:$0x3FB8];
	_ =	sdelay $0x3  }
0x33: {  	p0 =	seq.s32 s10, $0x1;
	s10 =	sld [smem:$0x3FBA];
	_ =	sdelay $0x3  }
0x34: {  	[smem:$0x3FBA] =	sst s10  }
0x35: {  	s10 =	sld [smem:$0x3FB9];
	_ =	sdelay $0x3  }
0x36: {  	p1 =	seq.s32 s10, $0x1;
	s10 =	sld [smem:$0x3FBA];
	_ =	sdelay $0x3  }
0x37: {  	[smem:$0x3FBA] =	sst s10  }
0x38: {  	s10 =	sld [smem:$0x3FBB]  }
0x39: {  	_ = 	snop;
	(pc) =	sbr.ind lr, $3  }
0x3a: {  	_ = 	snop  }
0x3b: {  	_ = 	snop  }
0x3c: {  	p2 =	seq.s32 s10, $0x1;
	s10 =	sld [smem:$0x3FBA]  }
0x3d: {  	_ =	shalt  }
0x3e: {  	_ =	shalt  }
0x3f: {  	_ =	shalt  }
0x40: {  	_ =	shalt  }
0x41: {  	_ =	shalt  }
0x42: {  	_ =	shalt  }
0x43: {  	_ =	shalt  }
0x44: {  	_ =	shalt  }
0x45: {  	_ =	shalt  }
0x46: {  	_ =	shalt  }
0x47: {  	_ =	shalt  }
0x48: {  	_ =	shalt  }
0x49: {  	_ =	shalt  }
0x4a: {  	_ =	shalt  }
0x4b: {  	_ =	shalt  }
0x4c: {  	_ =	shalt  }
0x4d: {  	_ =	shalt  }
0x4e: {  	_ =	shalt  }
0x4f: {  	_ =	shalt  }
0x50: {  	_ =	shalt  }
0x51: {  	_ =	shalt  }
0x52: {  	_ =	shalt  }
0x53: {  	_ =	shalt  }
0x54: {  	_ =	shalt  }
0x55: {  	_ =	shalt  }
0x56: {  	_ =	shalt  }
0x57: {  	_ =	shalt  }
0x58: {  	_ =	shalt  }
0x59: {  	_ =	shalt  }
0x5a: {  	_ =	shalt  }
0x5b: {  	_ =	shalt  }
0x5c: {  	_ =	shalt  }
0x5d: {  	_ =	shalt  }
0x5e: {  	_ =	shalt  }
0x5f: {  	_ =	shalt  }
0x60: {  	_ =	shalt  }
0x61: {  	_ =	shalt  }
0x62: {  	_ =	shalt  }
0x63: {  	_ =	shalt  }
0x64: {  	_ =	shalt  }
0x65: {  	_ =	shalt  }
0x66: {  	_ =	shalt  }
0x67: {  	_ =	shalt  }
0x68: {  	_ =	shalt  }
0x69: {  	_ =	shalt  }
0x6a: {  	_ =	shalt  }
0x6b: {  	_ =	shalt  }
0x6c: {  	_ =	shalt  }
0x6d: {  	_ =	shalt  }
0x6e: {  	_ =	shalt  }
0x6f: {  	_ =	shalt  }
0x70: {  	_ =	shalt  }
0x71: {  	_ =	shalt  }
0x72: {  	_ =	shalt  }
0x73: {  	_ =	shalt  }
0x74: {  	_ =	shalt  }
0x75: {  	_ =	shalt  }
0x76: {  	_ =	shalt  }
0x77: {  	_ =	shalt  }
0x78: {  	_ =	shalt  }
0x79: {  	_ =	shalt  }
0x7a: {  	_ =	shalt  }
0x7b: {  	_ =	shalt  }
0x7c: {  	_ =	shalt  }
0x7d: {  	_ =	shalt  }
0x7e: {  	_ =	shalt  }
0x7f: {  	_ =	shalt  }
0x80: {  	_ =	shalt  }
0x81: {  	_ =	shalt  }
0x82: {  	_ =	shalt  }
0x83: {  	_ =	shalt  }
0x84: {  	_ =	shalt  }
0x85: {  	_ =	shalt  }
0x86: {  	_ =	shalt  }
0x87: {  	_ =	shalt  }
.Lfunc_end0:
.L_simem_size_0:
called_computation_lowered:
.L_overlay_start_0:
0x88: {  	s0 =	sld [smem:$0x3FD9]  }
0x89: {  	s1 =	sld [smem:$0x3FFE];
	_ =	sdelay $0x3  }
0x8a: {  	s0 =	sadd.s32 s1, s0  }
0x8b: {  	[smem:$0x3FC6] =	sst s0  }
0x8c: {  	_ = 	snop  }
0x8d: {  	s0 =	sld [smem:$0x3FC9]  }
0x8e: {  	s17 =	sld [smem:$0x3FC8]  }
0x8f: {  	s2 =	sld [smem:$0x3FD0];
	(tm) =	ssettm $0x1  }
0x90: {  	s3 =	sld [smem:$0x3FFB];
	_ =	sdelay $0x3  }
0x91: {  	_ =	strace s3  }
0x92: {  	s3 =	sld [smem:$0x3FFC];
	_ =	sdelay $0x3  }
0x93: {  	_ =	strace s3  }
0x94: {  	s3 =	sld [smem:$0x3FFD];
	_ =	sdelay $0x3  }
0x95: {  	_ =	strace s3  }
0x96: {  	_ =	strace $0x8FFFFFFF  }
0x97: {  	s18 =	sld [smem:$0x3FDB];
	_ =	sdelay $0x1  }
0x98: {  	s4 =	simm.s32 $_scs_section_size  }
0x99: {  	s5 =	simm.s32 $_size__tile_overlayer_lowered;
	s6 =	simm.s32 $_tile_overlayer_lowered  }
0x9a: {  	s21 =	simm.s32 $0x1BFF;
	s20 =	sshll.u32 s6, $0x1;
	s3 =	sadd.s32 s4, s18  }
0x9b: {  	s7 =	simm.s32 $0x0;
	s19 =	sshll.u32 s5, $0x1;
	s5 =	sadd.s32 s20, s3  }
0x9c: {  	[timem:s7], [sflag:s21] =	dma.local [hbm:s5], s19  }
0x9d: {  	_ =	swait.ge [sflag:s21], s19  }
0x9e: {  	s4 =	ssub.s32 $0x0, s19;
	[sflag:s21] =	ssyncset.done $0x0  }
0x9f: {  	[sflag:s21] =	ssyncadd.s32 s4;
	_ =	sdelay $0x1  }
0xa0: {  	s22 =	simm.s32 $0x1B8B  }
0xa1: {  	_ =	swait.ge [sflag:s22], $0x1  }
0xa2: {  	[sflag:s22] =	ssyncset.done $0x0  }
0xa3: {  	s23 =	simm.s32 $0x1B8E;
	[sflag:s22] =	ssyncadd.s32 $0xFFFFFFFF  }
0xa4: {  	s24 =	simm.s32 $execute0_lowered;
	[smem:$0x3FD2] =	sst s23  }
0xa5: {  	s4 =	sshll.u32 s24, $0x1;
	_ =	strace $0x80000046;
	[dreg:$0x1] =	wrdreg $0xFFFFFFFF  }
0xa6: {  	s25 =	simm.s32 $_size_execute0_lowered;
	s3 =	sadd.s32 s3, s4;
	[dreg:$0x0] =	wrdreg $0x0  }
0xa7: {  	s4 =	sshll.u32 s25, $0x1;
	[dreg:$0x2] =	wrdreg s3  }
0xa8: {  	[dreg:$0x3] =	wrdreg s4  }
0xa9: {  	[dreg:$0x4] =	wrdreg $0xC0  }
0xaa: {  	_ =	task [dreg:s7], $0x5FFFF  }
0xab: {  	[dreg:$0x1] =	wrdreg $0xFFFFFFFF  }
0xac: {  	[dreg:$0x0] =	wrdreg $0x60  }
0xad: {  	[dreg:$0x2] =	wrdreg s0  }
0xae: {  	[dreg:$0x3] =	wrdreg s17  }
0xaf: {  	[dreg:$0x4] =	wrdreg s2  }
0xb0: {  	[dreg:$0x5] =	wrdreg $0x9  }
0xb1: {  	_ =	task.clear_ibuf [dreg:s7], $0x6FFFF;
	_ =	strace $0x90000046  }
0xb2: {  	s26 =	simm.s32 $0x9;
	_ =	strace $0x80000048  }
0xb3: {  	_ =	swait.ge [sflag:s26], $0x1  }
0xb4: {  	[sflag:s26] =	ssyncadd.s32 $0xFFFFFFFF  }
0xb5: {  	_ =	strace $0x90000048  }
0xb6: {  	_ =	sfence  }
0xb7: {  	s28 =	sld [smem:$0x0];
	_ =	sdelay $0x1  }
0xb8: {  	s29 =	srdreg.scid  }
0xb9: {  	s30 =	sshll.u32 s29, $0xD;
	s31 =	sshrl.u32 s29, $0x2  }
0xba: {  	s1 =	sand.u32 $0x1, s29;
	s2 =	sand.u32 $0x4000, s30;
	s0 =	sadd.s32 s31, s28  }
0xbb: {  	s1 =	sor.u32 s2, s1;
	s0 =	sshll.u32 s0, $0x11  }
0xbc: {  	s0 =	sor.u32 s0, s1  }
0xbd: {  	s0 =	sadd.s32 $0x8F2B, s0  }
0xbe: {  	[sflag:s0] =	ssyncadd.remote.s32 $0x1  }
0xbf: {  	_ =	sfence.sel $0xFFFF  }
0xc0: {  	[dreg:$0x0] =	wrdreg $0xFFFFFFFF;
	(pc) =	sbr.abs _section_cstart, $3  }
0xc1: {  	[dreg:$0x1] =	wrdreg $0xFFFFFFFF  }
0xc2: {  	_ =	task.clear_ibuf [dreg:s7], $0x2FFFF;
	_ =	strace $0x9FFFFFFF  }
0xc3: {  	(tm) =	ssettm $0x7FFFFFFF  }
tec
execute0_lowered:
.L_overlay_start_1:
0x0: {  	(tag) =	ssettag $0x1  }
0x1: {  	s3 =	rddreg [dreg:$0x0]  }
0x2: {  	s6 =	rddreg [dreg:$0x1]  }
0x3: {  	s2 =	rddreg [dreg:$0x2];
	s4 =	simm.s32 $0x0  }
0x4: {  	s1 =	stileid.u32;
	[smem:$0x7FF] =	sst s4  }
0x5: {  	s0 =	rddreg [dreg:$0x3];
	s5 =	sshll.u32 s1, $0x7;
	_ =	strace $0x80000047  }
0x6: {  	[tilespmem:s4], [sflag:$0x1] =	stream.linear.gather [hbm4b:s3+s4], $0x400, $0x38;
	[tilespmem:$0xC00] =	vst v63  }
0x7: {  	s8 =	simm.s32 $0x400;
	s7 =	sadd.s32 s6, s5;
	s3 =	sor.u32 $0x40, s5  }
0x8: {  	[tilespmem:s8], [sflag:$0x2] =	stream.linear.gather [hbm4b:s7+s4], $0x200, $0x38;
	[tilespmem:$0xC00] =	vst v63  }
0x9: {  	s29 =	simm.s32 $0x600;
	s30 =	simm.s32 $0x1;
	s6 =	sadd.s32 s6, s3  }
0xa: {  	[tilespmem:s29], [sflag:$0x3] =	stream.linear.gather [hbm4b:s6+s4], $0x200, $0x38;
	[tilespmem:$0xC00] =	vst v63  }
0xb: {  	_ =	swait.ge [sflag:s30], $0x400  }
0xc: {  	[sflag:s30] =	ssyncset.done $0x0  }
0xd: {  	s31 =	simm.s32 $0x2;
	[sflag:s30] =	ssyncadd.s32 $0xFFFFFC00  }
0xe: {  	_ =	swait.ge [sflag:s31], $0x200  }
0xf: {  	[sflag:s31] =	ssyncset.done $0x0  }
0x10: {  	p0 =	por $0x1, $0x1;
	s6 =	simm.s32 $0x0;
	[sflag:s31] =	ssyncadd.s32 $0xFFFFFE00  }
.LBB2_1:
0x11: {  	v0 =	vld [tilespmem:s6+$0x400]  }
0x12: {  	v1 =	vld [tilespmem:s6+$0x410]  }
0x13: {  	v2 =	vld [tilespmem:s6+$0x420]  }
0x14: {  	v3 =	vld [tilespmem:s6+$0x430]  }
0x15: {  	v4 =	vld [tilespmem:s6+$0x440]  }
0x16: {  	v5 =	vld [tilespmem:s6+$0x450]  }
0x17: {  	v6 =	vld [tilespmem:s6+$0x460]  }
0x18: {  	v7 =	vld [tilespmem:s6+$0x470]  }
0x19: {  	v8 =	vld [tilespmem:s6+$0x480]  }
0x1a: {  	v9 =	vld [tilespmem:s6+$0x490]  }
0x1b: {  	v10 =	vld [tilespmem:s6+$0x4A0]  }
0x1c: {  	v11 =	vld [tilespmem:s6+$0x4B0]  }
0x1d: {  	v12 =	vld [tilespmem:s6+$0x4C0]  }
0x1e: {  	v56 =	vld [tilespmem:s6+$0x4D0]  }
0x1f: {  	v57 =	vld [tilespmem:s6+$0x4E0]  }
0x20: {  	v58 =	vld [tilespmem:s6+$0x4F0]  }
0x21: {  	v0 =	vld.idx.msk [tilespmem:v0+s4+$0x0], $0xffff  }
0x22: {  	v1 =	vld.idx.msk [tilespmem:v1+s4+$0x0], $0xffff  }
0x23: {  	v2 =	vld.idx.msk [tilespmem:v2+s4+$0x0], $0xffff  }
0x24: {  	v3 =	vld.idx.msk [tilespmem:v3+s4+$0x0], $0xffff  }
0x25: {  	v4 =	vld.idx.msk [tilespmem:v4+s4+$0x0], $0xffff  }
0x26: {  	v5 =	vld.idx.msk [tilespmem:v5+s4+$0x0], $0xffff;
	[tilespmem:s6+$0x800] =	vst v0  }
0x27: {  	v6 =	vld.idx.msk [tilespmem:v6+s4+$0x0], $0xffff;
	[tilespmem:s6+$0x810] =	vst v1  }
0x28: {  	v7 =	vld.idx.msk [tilespmem:v7+s4+$0x0], $0xffff;
	[tilespmem:s6+$0x820] =	vst v2  }
0x29: {  	v59 =	vld.idx.msk [tilespmem:v8+s4+$0x0], $0xffff;
	[tilespmem:s6+$0x830] =	vst v3  }
0x2a: {  	v60 =	vld.idx.msk [tilespmem:v9+s4+$0x0], $0xffff;
	[tilespmem:s6+$0x840] =	vst v4  }
0x2b: {  	v61 =	vld.idx.msk [tilespmem:v10+s4+$0x0], $0xffff;
	[tilespmem:s6+$0x850] =	vst v5  }
0x2c: {  	v62 =	vld.idx.msk [tilespmem:v11+s4+$0x0], $0xffff;
	[tilespmem:s6+$0x860] =	vst v6  }
0x2d: {  	v63 =	vld.idx.msk [tilespmem:v12+s4+$0x0], $0xffff;
	[tilespmem:s6+$0x870] =	vst v7  }
0x2e: {  	[tilespmem:s6+$0x880] =	vst v59;
	v0 =	vld.idx.msk [tilespmem:v56+s4+$0x0], $0xffff  }
0x2f: {  	[tilespmem:s6+$0x890] =	vst v60;
	v1 =	vld.idx.msk [tilespmem:v57+s4+$0x0], $0xffff  }
0x30: {  	p1 =	por p0, p0;
	[tilespmem:s6+$0x8A0] =	vst v61;
	v2 =	vld.idx.msk [tilespmem:v58+s4+$0x0], $0xffff  }
.Ltmp0:
0x31: {  	[tilespmem:s6+$0x8B0] =	vst v62;
	(pc) =	sbr.rel @p1 .LBB2_1-.Ltmp0, $4  }
0x32: {  	[tilespmem:s6+$0x8C0] =	vst v63  }
0x33: {  	[tilespmem:s6+$0x8D0] =	vst v0  }
0x34: {  	[tilespmem:s6+$0x8E0] =	vst v1  }
0x35: {  	p0 =	por $0x0, $0x0;
	[tilespmem:s6+$0x8F0] =	vst v2;
	s6 =	simm.s32 $0x100  }
0x36: {  	s5 =	sadd.s32 s2, s5  }
0x37: {  	s4 =	simm.s32 $0x0;
	s6 =	simm.s32 $0x800;
	s30 =	simm.s32 $0x3  }
0x38: {  	[hbm4b:s5+s4] =	stream.linear.scatter [tilespmem:s6], [sflag:$0x4], $0x200, $0x38;
	[tilespmem:$0xC00] =	vst v63  }
0x39: {  	_ =	swait.ge [sflag:s30], $0x200  }
0x3a: {  	[sflag:s30] =	ssyncset.done $0x0  }
0x3b: {  	s31 =	simm.s32 $0x6F0;
	[sflag:s30] =	ssyncadd.s32 $0xFFFFFE00  }
0x3c: {  	v0 =	vld [tilespmem:s31+$0x0]  }
0x3d: {  	v1 =	vld [tilespmem:s31+$0xFFFFFF20]  }
0x3e: {  	v2 =	vld [tilespmem:s31+$0xFFFFFF30]  }
0x3f: {  	v3 =	vld [tilespmem:s31+$0xFFFFFF40]  }
0x40: {  	v4 =	vld [tilespmem:s31+$0xFFFFFF50]  }
0x41: {  	v5 =	vld [tilespmem:s31+$0xFFFFFF60]  }
0x42: {  	v6 =	vld [tilespmem:s31+$0xFFFFFF70]  }
0x43: {  	v7 =	vld [tilespmem:s31+$0xFFFFFF80]  }
0x44: {  	v8 =	vld [tilespmem:s31+$0xFFFFFF90]  }
0x45: {  	v9 =	vld [tilespmem:s31+$0xFFFFFFA0]  }
0x46: {  	v10 =	vld [tilespmem:s31+$0xFFFFFFB0]  }
0x47: {  	v11 =	vld [tilespmem:s31+$0xFFFFFFC0]  }
0x48: {  	v12 =	vld [tilespmem:s31+$0xFFFFFFD0]  }
0x49: {  	v13 =	vld [tilespmem:s31+$0xFFFFFFE0]  }
0x4a: {  	v14 =	vld [tilespmem:s31+$0xFFFFFFF0]  }
0x4b: {  	v15 =	vld [tilespmem:s31+$0xFFFFFF10]  }
0x4c: {  	v0 =	vld.idx.msk [tilespmem:v0+s4+$0x0], $0xffff  }
0x4d: {  	v1 =	vld.idx.msk [tilespmem:v1+s4+$0x0], $0xffff  }
0x4e: {  	v2 =	vld.idx.msk [tilespmem:v2+s4+$0x0], $0xffff  }
0x4f: {  	v3 =	vld.idx.msk [tilespmem:v3+s4+$0x0], $0xffff  }
0x50: {  	v4 =	vld.idx.msk [tilespmem:v4+s4+$0x0], $0xffff  }
0x51: {  	s5 =	simm.s32 $0xAF0;
	v5 =	vld.idx.msk [tilespmem:v5+s4+$0x0], $0xffff  }
0x52: {  	v6 =	vld.idx.msk [tilespmem:v6+s4+$0x0], $0xffff;
	[tilespmem:s5+$0x0] =	vst v0  }
0x53: {  	v7 =	vld.idx.msk [tilespmem:v7+s4+$0x0], $0xffff;
	[tilespmem:s5+$0xFFFFFF20] =	vst v1  }
0x54: {  	v15 =	vld.idx.msk [tilespmem:v15+s4+$0x0], $0xffff;
	[tilespmem:s5+$0xFFFFFF30] =	vst v2  }
0x55: {  	v8 =	vld.idx.msk [tilespmem:v8+s4+$0x0], $0xffff;
	[tilespmem:s5+$0xFFFFFF40] =	vst v3  }
0x56: {  	[tilespmem:s5+$0xFFFFFF50] =	vst v4;
	v0 =	vld.idx.msk [tilespmem:v9+s4+$0x0], $0xffff  }
0x57: {  	[tilespmem:s5+$0xFFFFFF60] =	vst v5;
	v1 =	vld.idx.msk [tilespmem:v10+s4+$0x0], $0xffff  }
0x58: {  	[tilespmem:s5+$0xFFFFFF70] =	vst v6;
	v2 =	vld.idx.msk [tilespmem:v11+s4+$0x0], $0xffff  }
0x59: {  	[tilespmem:s5+$0xFFFFFF80] =	vst v7;
	v3 =	vld.idx.msk [tilespmem:v12+s4+$0x0], $0xffff  }
0x5a: {  	[tilespmem:s5+$0xFFFFFF10] =	vst v15;
	v4 =	vld.idx.msk [tilespmem:v13+s4+$0x0], $0xffff  }
0x5b: {  	s7 =	simm.s32 $0x7F0;
	s6 =	simm.s32 $0x200;
	[tilespmem:s5+$0xFFFFFF90] =	vst v8;
	v5 =	vld.idx.msk [tilespmem:v14+s4+$0x0], $0xffff  }
.LBB2_3:
0x5c: {  	v6 =	vld [tilespmem:s7+$0x0];
	s6 =	sadd.s32 $0x100, s6;
	[tilespmem:s5+$0xFFFFFFA0] =	vst v0  }
0x5d: {  	v0 =	vld [tilespmem:s7+$0xFFFFFF20];
	p0 =	slt.u32 s6, $0x300;
	[tilespmem:s5+$0xFFFFFFB0] =	vst v1  }
0x5e: {  	v1 =	vld [tilespmem:s7+$0xFFFFFF30];
	[tilespmem:s5+$0xFFFFFFC0] =	vst v2  }
0x5f: {  	v2 =	vld [tilespmem:s7+$0xFFFFFF40];
	[tilespmem:s5+$0xFFFFFFD0] =	vst v3  }
0x60: {  	v3 =	vld [tilespmem:s7+$0xFFFFFF50];
	[tilespmem:s5+$0xFFFFFFE0] =	vst v4  }
0x61: {  	v4 =	vld [tilespmem:s7+$0xFFFFFF60];
	[tilespmem:s5+$0xFFFFFFF0] =	vst v5  }
0x62: {  	v5 =	vld [tilespmem:s7+$0xFFFFFF70]  }
0x63: {  	v7 =	vld [tilespmem:s7+$0xFFFFFF80]  }
0x64: {  	v6 =	vld.idx.msk [tilespmem:v6+s4+$0x0], $0xffff  }
0x65: {  	v8 =	vld [tilespmem:s7+$0xFFFFFF90]  }
0x66: {  	v9 =	vld [tilespmem:s7+$0xFFFFFFA0]  }
0x67: {  	v10 =	vld [tilespmem:s7+$0xFFFFFFB0]  }
0x68: {  	v11 =	vld [tilespmem:s7+$0xFFFFFFC0]  }
0x69: {  	s5 =	sadd.s32 $0x100, s5;
	v12 =	vld [tilespmem:s7+$0xFFFFFFD0]  }
0x6a: {  	v13 =	vld [tilespmem:s7+$0xFFFFFFE0];
	[tilespmem:s5+$0x0] =	vst v6  }
0x6b: {  	v6 =	vld [tilespmem:s7+$0xFFFFFFF0]  }
0x6c: {  	v14 =	vld [tilespmem:s7+$0xFFFFFF10]  }
0x6d: {  	v0 =	vld.idx.msk [tilespmem:v0+s4+$0x0], $0xffff  }
0x6e: {  	v1 =	vld.idx.msk [tilespmem:v1+s4+$0x0], $0xffff  }
0x6f: {  	v2 =	vld.idx.msk [tilespmem:v2+s4+$0x0], $0xffff  }
0x70: {  	v3 =	vld.idx.msk [tilespmem:v3+s4+$0x0], $0xffff  }
0x71: {  	v4 =	vld.idx.msk [tilespmem:v4+s4+$0x0], $0xffff  }
0x72: {  	v5 =	vld.idx.msk [tilespmem:v5+s4+$0x0], $0xffff  }
0x73: {  	[tilespmem:s5+$0xFFFFFF20] =	vst v0;
	v7 =	vld.idx.msk [tilespmem:v7+s4+$0x0], $0xffff  }
0x74: {  	v14 =	vld.idx.msk [tilespmem:v14+s4+$0x0], $0xffff;
	[tilespmem:s5+$0xFFFFFF30] =	vst v1  }
0x75: {  	[tilespmem:s5+$0xFFFFFF40] =	vst v2;
	v8 =	vld.idx.msk [tilespmem:v8+s4+$0x0], $0xffff  }
0x76: {  	[tilespmem:s5+$0xFFFFFF50] =	vst v3;
	v0 =	vld.idx.msk [tilespmem:v9+s4+$0x0], $0xffff  }
.Ltmp1:
0x77: {  	[tilespmem:s5+$0xFFFFFF60] =	vst v4;
	v1 =	vld.idx.msk [tilespmem:v10+s4+$0x0], $0xffff;
	(pc) =	sbr.rel @p0 .LBB2_3-.Ltmp1, $4  }
0x78: {  	[tilespmem:s5+$0xFFFFFF70] =	vst v5;
	v2 =	vld.idx.msk [tilespmem:v11+s4+$0x0], $0xffff  }
0x79: {  	[tilespmem:s5+$0xFFFFFF80] =	vst v7;
	v3 =	vld.idx.msk [tilespmem:v12+s4+$0x0], $0xffff  }
0x7a: {  	[tilespmem:s5+$0xFFFFFF10] =	vst v14;
	v4 =	vld.idx.msk [tilespmem:v13+s4+$0x0], $0xffff  }
0x7b: {  	s7 =	sadd.s32 $0x100, s7;
	[tilespmem:s5+$0xFFFFFF90] =	vst v8;
	v5 =	vld.idx.msk [tilespmem:v6+s4+$0x0], $0xffff  }
0x7c: {  	[tilespmem:s5+$0xFFFFFFA0] =	vst v0  }
0x7d: {  	[tilespmem:s5+$0xFFFFFFB0] =	vst v1  }
0x7e: {  	[tilespmem:s5+$0xFFFFFFC0] =	vst v2  }
0x7f: {  	[tilespmem:s5+$0xFFFFFFD0] =	vst v3  }
0x80: {  	s2 =	sadd.s32 s2, s3;
	[tilespmem:s5+$0xFFFFFFE0] =	vst v4  }
0x81: {  	s30 =	simm.s32 $0x0;
	s4 =	simm.s32 $0xA00;
	s31 =	simm.s32 $0x4;
	[tilespmem:s5+$0xFFFFFFF0] =	vst v5  }
0x82: {  	[hbm4b:s2+s30] =	stream.linear.scatter [tilespmem:s4], [sflag:$0x4], $0x200, $0x38;
	[tilespmem:$0xC00] =	vst v63  }
0x83: {  	_ =	swait.ge [sflag:s31], $0x200  }
0x84: {  	[sflag:s31] =	ssyncset.done $0x0  }
0x85: {  	[sflag:s31] =	ssyncadd.s32 $0xFFFFFE00  }
0x86: {  	_ =	swait.ge [sflag:s31], $0x200  }
0x87: {  	[sflag:s31] =	ssyncset.done $0x0  }
0x88: {  	[sflag:s31] =	ssyncadd.s32 $0xFFFFFE00  }
0x89: {  	_ =	sfence.sel $0x180000  }
0x8a: {  	[bflag:$0x0] =	sbarrier.arrive $0xFFFF  }
0x8b: {  	p0 =	sne.s32 s1, $0x0;
	_ =	strace $0x90000047  }
0x8c: {  	s0 =	sadd.s32 @!p0 $0x100000, s0;
	[bflag:$0x2] =	sbarrier.arrive $0xFFFF  }
0x8d: {  	[sflag:s0] =	ssyncadd.tile.s32 @!p0 $0x1;
	_ =	shalt  }
.Lfunc_end2:
_tile_overlayer_lowered:
.L_overlay_start_2:
0x8e: {  	(tag) =	ssettag $0x2  }
0x8f: {  	s0 =	rddreg [dreg:$0x0];
	s2 =	stileid.u32  }
0x90: {  	s1 =	rddreg [dreg:$0x1];
	p0 =	sne.s32 s2, $0x0  }
0x91: {  	s3 =	rddreg [dreg:$0x2];
	[bflag:$0x3] =	sbarrier.arrive $0xFFFF;
	s2 =	simm.s32 @!p0 $0x1C05  }
0x92: {  	[timem:s3], [sflag:s2] =	dma.local @!p0 [hbm:s0], s1  }
0x93: {  	s0 =	simm.s32 @!p0 $0x5  }
0x94: {  	_ =	swait.ge @!p0 [sflag:s0], s1  }
0x95: {  	s1 =	ssub.s32 @!p0 $0x0, s1;
	[sflag:s0] =	ssyncset.done @!p0 $0x0  }
0x96: {  	[sflag:s0] =	ssyncadd.s32 @!p0 s1  }
0x97: {  	[bflag:$0x3] =	sbarrier.arrive $0xFFFF  }
0x98: {  	_ =	shalt  }

</sc_bundles>
